<compile_context>
chip_gen: v7x
topology: tpu7x:2x2x1
jax: 0.10.2.dev20260603
libtpu: 0.0.44.dev20260713+nightly
codegen_flags: <defaults>
</compile_context>

<pallas_src>
import functools

import jax
import jax.numpy as jnp
from jax import lax
from jax.experimental import pallas as pl
from jax.experimental.pallas import tpu as pltpu
from jax.experimental.pallas import tpu_sc as plsc

_T = 32768
_D = 768
_E = 64

_NC = 2
_NS = 16
_NW = _NC * _NS
_CHUNK = _T // _NW

_noise_cache = []


def _noise_const():
    if not _noise_cache:
        _noise_cache.append(
            jax.random.normal(jax.random.key(42), (_T, _E), dtype=jnp.float32)
        )
    return _noise_cache[0]


def _tc_body(x_ref, wg_ref, wn_ref, b_ref, c_ref, n_ref, idx_ref, flat_ref):
    x = x_ref[...]
    accg = jnp.dot(x, wg_ref[...], preferred_element_type=jnp.float32)
    accn = jnp.dot(x, wn_ref[...], preferred_element_type=jnp.float32)
    logits = accg + b_ref[0:1, :]
    std = jax.nn.softplus(accn + b_ref[1:2, :])
    noisy = logits + n_ref[...] * std
    m = jnp.max(noisy, axis=1, keepdims=True)
    cols = c_ref[...]
    idx_f = jnp.min(jnp.where(noisy == m, cols, float(_E)), axis=1, keepdims=True)
    idx_i = idx_f.astype(jnp.int32)
    idx_ref[...] = idx_i
    flat_ref[...] = idx_i.reshape(flat_ref.shape)


@functools.partial(
    pl.kernel,
    mesh=plsc.VectorSubcoreMesh(core_axis_name="c", subcore_axis_name="s"),
    out_type=jax.ShapeDtypeStruct((_T * _E,), jnp.float32),
    scratch_types=[
        pltpu.VMEM((_CHUNK,), jnp.int32),
        pltpu.VMEM((_CHUNK * _E,), jnp.float32),
    ],
    compiler_params=pltpu.CompilerParams(needs_layout_passes=False),
)
def _sc_scatter(idx_hbm, out_hbm, idx_v, rows_v):
    wid = lax.axis_index("s") * _NC + lax.axis_index("c")
    base = wid * _CHUNK
    pltpu.sync_copy(idx_hbm.at[pl.ds(base, _CHUNK)], idx_v)

    zeros = jnp.zeros((16,), jnp.float32)

    def zbody(r, carry):
        for j in range(16):
            rows_v[pl.ds((r * 16 + j) * 16, 16)] = zeros
        return carry

    lax.fori_loop(0, _CHUNK * _E // 256, zbody, 0)

    ones = jnp.ones((16,), jnp.float32)
    lane = lax.iota(jnp.int32, 16)

    def sbody(g, carry):
        ofs = (g * 16 + lane) * _E + idx_v[pl.ds(g * 16, 16)]
        plsc.store_scatter(rows_v, [ofs], ones)
        return carry

    lax.fori_loop(0, _CHUNK // 16, sbody, 0)

    pltpu.sync_copy(rows_v, out_hbm.at[pl.ds(base * _E, _CHUNK * _E)])


def kernel(x, gate_w, gate_b, noise_w, noise_b):
    noise = _noise_const()
    wg = gate_w.T
    wn = noise_w.T
    b = jnp.stack([gate_b, noise_b], axis=0)
    cols = jnp.arange(_E, dtype=jnp.float32).reshape(1, _E)

    tm = 2048
    idx, idx_flat = pl.pallas_call(
        _tc_body,
        grid=(_T // tm,),
        in_specs=[
            pl.BlockSpec((tm, _D), lambda i: (i, 0)),
            pl.BlockSpec((_D, _E), lambda i: (0, 0)),
            pl.BlockSpec((_D, _E), lambda i: (0, 0)),
            pl.BlockSpec((2, _E), lambda i: (0, 0)),
            pl.BlockSpec((1, _E), lambda i: (0, 0)),
            pl.BlockSpec((tm, _E), lambda i: (i, 0)),
        ],
        out_specs=[
            pl.BlockSpec((tm, 1), lambda i: (i, 0)),
            pl.BlockSpec((tm,), lambda i: (i,)),
        ],
        out_shape=[
            jax.ShapeDtypeStruct((_T, 1), jnp.int32),
            jax.ShapeDtypeStruct((_T,), jnp.int32),
        ],
    )(x, wg, wn, b, cols, noise)

    probs = _sc_scatter(idx_flat).reshape(_T, _E)
    return probs, idx

# --- scband reference (transcript-rebuilt; emitter-appended) ---
"""Pipeline reference for scband-router-17394617549052 (READ-ONLY COPY).

The authoritative reference and input builder live on the scoring server;
editing this copy changes nothing except your own understanding.
"""

import jax, jax.numpy as jnp
import numpy as np

T = 32768
D = 768
E = 64
TOPK = 1

def setup_inputs(seed: int = 0) -> dict:
    key = jax.random.key(seed)
    k1, k2, k3 = jax.random.split(key, 3)
    x = jax.random.normal(k1, (T, D), dtype=jnp.float32)
    gate_w = jax.random.normal(k2, (E, D), dtype=jnp.float32) * (1.0 / np.sqrt(D))
    gate_b = jnp.zeros((E,), dtype=jnp.float32)
    noise_w = jax.random.normal(k3, (E, D), dtype=jnp.float32) * (1.0 / np.sqrt(D))
    noise_b = jnp.zeros((E,), dtype=jnp.float32)
    return {"x": x, "gate_w": gate_w, "gate_b": gate_b, "noise_w": noise_w, "noise_b": noise_b}

def reference(x, gate_w, gate_b, noise_w, noise_b):
    # logits = self.gate(x)
    logits = x @ gate_w.T + gate_b
    # noise_std = F.softplus(self.noise_linear(x))
    noise_std = jax.nn.softplus(x @ noise_w.T + noise_b)
    # noise = torch.randn_like(logits) * noise_std  (fixed key for determinism)
    noise = jax.random.normal(jax.random.key(42), logits.shape, dtype=logits.dtype) * noise_std
    noisy_logits = logits + noise
    # topk
    topk_vals, topk_idx = jax.lax.top_k(noisy_logits, TOPK)
    # mask = full(-inf); scatter topk vals back
    rows = jnp.arange(noisy_logits.shape[0])[:, None]
    sparse_logits = jnp.full_like(noisy_logits, -jnp.inf).at[rows, topk_idx].set(topk_vals)
    probs = jax.nn.softmax(sparse_logits, axis=-1)
    return (probs, topk_idx)

if __name__ == "__main__":
    import jax
    _d = setup_inputs()
    print(jax.jit(kernel)(*tuple(_d.values())))

</pallas_src>

<mosaic_0001>
#map = affine_map<(d0, d1) -> (0)>
module attributes {stable_mosaic.version = 14 : i64} {
  func.func @_sc_scatter(%arg0: i32, %arg1: i32, %arg2: memref<32768xi32, #tpu.memory_space<hbm>>, %arg3: memref<2097152xf32, #tpu.memory_space<hbm>>, %arg4: memref<1024xi32, #tpu.memory_space<vmem>>, %arg5: memref<65536xf32, #tpu.memory_space<vmem>>) attributes {dimension_semantics = [#tpu.dimension_semantics<core_parallel>, #tpu.dimension_semantics<subcore_parallel>], iteration_bounds = array<i64: 2, 16>, scalar_prefetch = 0 : i64, scratch_operands = 2 : i64, tpu.core_type = #tpu.core_type<sc_vector_subcore>, window_params = [{transform_indices = #map}, {transform_indices = #map}]} {
    %mul3A = arith.constant 2 : i32
    %mul3A_0 = arith.muli %arg1, %mul3A : i32
    %add3A = arith.addi %mul3A_0, %arg0 : i32
    %mul3A_1 = arith.constant 1024 : i32
    %mul3A_2 = arith.muli %add3A, %mul3A_1 : i32
    "tpu.region"() ({
      %run_scoped3A = tpu.sem_alloc : memref<!tpu.dma_semaphore, #tpu.memory_space<semaphore_mem>>
      %dma_start3A = tpu.memref_slice %arg2[%mul3A_2] : memref<32768xi32, #tpu.memory_space<hbm>> -> memref<1024xi32, #tpu.memory_space<hbm>>
      %dma_start3A_19 = tpu.memref_slice %arg2[%mul3A_2] : memref<32768xi32, #tpu.memory_space<hbm>> -> memref<1024xi32, #tpu.memory_space<hbm>>
      tpu.enqueue_dma source(%dma_start3A_19 : memref<1024xi32, #tpu.memory_space<hbm>>) target(%arg4 : memref<1024xi32, #tpu.memory_space<vmem>>) target_semaphore(%run_scoped3A : memref<!tpu.dma_semaphore, #tpu.memory_space<semaphore_mem>>)
      %dma_wait3A = tpu.memref_slice %arg2[%mul3A_2] : memref<32768xi32, #tpu.memory_space<hbm>> -> memref<1024xi32, #tpu.memory_space<hbm>>
      %dma_wait3A_20 = tpu.memref_slice %arg2[%mul3A_2] : memref<32768xi32, #tpu.memory_space<hbm>> -> memref<1024xi32, #tpu.memory_space<hbm>>
      tpu.wait_dma2 semaphore(%run_scoped3A : memref<!tpu.dma_semaphore, #tpu.memory_space<semaphore_mem>>) src(%dma_wait3A_20 : memref<1024xi32, #tpu.memory_space<hbm>>) dst(%arg4 : memref<1024xi32, #tpu.memory_space<vmem>>)
      tpu.yield
    }) : () -> ()
    %broadcast_in_dim3A = arith.constant 0.000000e+00 : f32
    %broadcast_in_dim3A_3 = vector.broadcast %broadcast_in_dim3A : f32 to vector<16xf32>
    %scan3A = arith.constant 0 : i32
    %scan3A_4 = arith.constant 0 : i32
    %scan3A_5 = arith.constant 256 : i32
    %scan3A_6 = arith.addi %scan3A_4, %scan3A_5 : i32
    %scan3A_7 = arith.constant 1 : i32
    scf.for %scan3A_19 = %scan3A_4 to %scan3A_6 step %scan3A_7  : i32 {
      %mul3A_20 = arith.constant 16 : i32
      %mul3A_21 = arith.muli %scan3A_19, %mul3A_20 : i32
      %add3A_22 = arith.constant 0 : i32
      %add3A_23 = arith.addi %mul3A_21, %add3A_22 : i32
      %mul3A_24 = arith.constant 16 : i32
      %mul3A_25 = arith.muli %add3A_23, %mul3A_24 : i32
      %swap3A = arith.index_cast %mul3A_25 : i32 to index
      %swap3A_26 = tpu.vector_load %arg5[%swap3A] {strides = array<i32>} : memref<65536xf32, #tpu.memory_space<vmem>>, vector<16xf32>,
      tpu.vector_store %arg5[%swap3A], %broadcast_in_dim3A_3 {strides = array<i32>} : memref<65536xf32, #tpu.memory_space<vmem>>, vector<16xf32>,
      %mul3A_27 = arith.constant 16 : i32
      %mul3A_28 = arith.muli %scan3A_19, %mul3A_27 : i32
      %add3A_29 = arith.constant 1 : i32
      %add3A_30 = arith.addi %mul3A_28, %add3A_29 : i32
      %mul3A_31 = arith.constant 16 : i32
      %mul3A_32 = arith.muli %add3A_30, %mul3A_31 : i32
      %swap3A_33 = arith.index_cast %mul3A_32 : i32 to index
      %swap3A_34 = tpu.vector_load %arg5[%swap3A_33] {strides = array<i32>} : memref<65536xf32, #tpu.memory_space<vmem>>, vector<16xf32>,
      tpu.vector_store %arg5[%swap3A_33], %broadcast_in_dim3A_3 {strides = array<i32>} : memref<65536xf32, #tpu.memory_space<vmem>>, vector<16xf32>,
      %mul3A_35 = arith.constant 16 : i32
      %mul3A_36 = arith.muli %scan3A_19, %mul3A_35 : i32
      %add3A_37 = arith.constant 2 : i32
      %add3A_38 = arith.addi %mul3A_36, %add3A_37 : i32
      %mul3A_39 = arith.constant 16 : i32
      %mul3A_40 = arith.muli %add3A_38, %mul3A_39 : i32
      %swap3A_41 = arith.index_cast %mul3A_40 : i32 to index
      %swap3A_42 = tpu.vector_load %arg5[%swap3A_41] {strides = array<i32>} : memref<65536xf32, #tpu.memory_space<vmem>>, vector<16xf32>,
      tpu.vector_store %arg5[%swap3A_41], %broadcast_in_dim3A_3 {strides = array<i32>} : memref<65536xf32, #tpu.memory_space<vmem>>, vector<16xf32>,
      %mul3A_43 = arith.constant 16 : i32
      %mul3A_44 = arith.muli %scan3A_19, %mul3A_43 : i32
      %add3A_45 = arith.constant 3 : i32
      %add3A_46 = arith.addi %mul3A_44, %add3A_45 : i32
      %mul3A_47 = arith.constant 16 : i32
      %mul3A_48 = arith.muli %add3A_46, %mul3A_47 : i32
      %swap3A_49 = arith.index_cast %mul3A_48 : i32 to index
      %swap3A_50 = tpu.vector_load %arg5[%swap3A_49] {strides = array<i32>} : memref<65536xf32, #tpu.memory_space<vmem>>, vector<16xf32>,
      tpu.vector_store %arg5[%swap3A_49], %broadcast_in_dim3A_3 {strides = array<i32>} : memref<65536xf32, #tpu.memory_space<vmem>>, vector<16xf32>,
      %mul3A_51 = arith.constant 16 : i32
      %mul3A_52 = arith.muli %scan3A_19, %mul3A_51 : i32
      %add3A_53 = arith.constant 4 : i32
      %add3A_54 = arith.addi %mul3A_52, %add3A_53 : i32
      %mul3A_55 = arith.constant 16 : i32
      %mul3A_56 = arith.muli %add3A_54, %mul3A_55 : i32
      %swap3A_57 = arith.index_cast %mul3A_56 : i32 to index
      %swap3A_58 = tpu.vector_load %arg5[%swap3A_57] {strides = array<i32>} : memref<65536xf32, #tpu.memory_space<vmem>>, vector<16xf32>,
      tpu.vector_store %arg5[%swap3A_57], %broadcast_in_dim3A_3 {strides = array<i32>} : memref<65536xf32, #tpu.memory_space<vmem>>, vector<16xf32>,
      %mul3A_59 = arith.constant 16 : i32
      %mul3A_60 = arith.muli %scan3A_19, %mul3A_59 : i32
      %add3A_61 = arith.constant 5 : i32
      %add3A_62 = arith.addi %mul3A_60, %add3A_61 : i32
      %mul3A_63 = arith.constant 16 : i32
      %mul3A_64 = arith.muli %add3A_62, %mul3A_63 : i32
      %swap3A_65 = arith.index_cast %mul3A_64 : i32 to index
      %swap3A_66 = tpu.vector_load %arg5[%swap3A_65] {strides = array<i32>} : memref<65536xf32, #tpu.memory_space<vmem>>, vector<16xf32>,
      tpu.vector_store %arg5[%swap3A_65], %broadcast_in_dim3A_3 {strides = array<i32>} : memref<65536xf32, #tpu.memory_space<vmem>>, vector<16xf32>,
      %mul3A_67 = arith.constant 16 : i32
      %mul3A_68 = arith.muli %scan3A_19, %mul3A_67 : i32
      %add3A_69 = arith.constant 6 : i32
      %add3A_70 = arith.addi %mul3A_68, %add3A_69 : i32
      %mul3A_71 = arith.constant 16 : i32
      %mul3A_72 = arith.muli %add3A_70, %mul3A_71 : i32
      %swap3A_73 = arith.index_cast %mul3A_72 : i32 to index
      %swap3A_74 = tpu.vector_load %arg5[%swap3A_73] {strides = array<i32>} : memref<65536xf32, #tpu.memory_space<vmem>>, vector<16xf32>,
      tpu.vector_store %arg5[%swap3A_73], %broadcast_in_dim3A_3 {strides = array<i32>} : memref<65536xf32, #tpu.memory_space<vmem>>, vector<16xf32>,
      %mul3A_75 = arith.constant 16 : i32
      %mul3A_76 = arith.muli %scan3A_19, %mul3A_75 : i32
      %add3A_77 = arith.constant 7 : i32
      %add3A_78 = arith.addi %mul3A_76, %add3A_77 : i32
      %mul3A_79 = arith.constant 16 : i32
      %mul3A_80 = arith.muli %add3A_78, %mul3A_79 : i32
      %swap3A_81 = arith.index_cast %mul3A_80 : i32 to index
      %swap3A_82 = tpu.vector_load %arg5[%swap3A_81] {strides = array<i32>} : memref<65536xf32, #tpu.memory_space<vmem>>, vector<16xf32>,
      tpu.vector_store %arg5[%swap3A_81], %broadcast_in_dim3A_3 {strides = array<i32>} : memref<65536xf32, #tpu.memory_space<vmem>>, vector<16xf32>,
      %mul3A_83 = arith.constant 16 : i32
      %mul3A_84 = arith.muli %scan3A_19, %mul3A_83 : i32
      %add3A_85 = arith.constant 8 : i32
      %add3A_86 = arith.addi %mul3A_84, %add3A_85 : i32
      %mul3A_87 = arith.constant 16 : i32
      %mul3A_88 = arith.muli %add3A_86, %mul3A_87 : i32
      %swap3A_89 = arith.index_cast %mul3A_88 : i32 to index
      %swap3A_90 = tpu.vector_load %arg5[%swap3A_89] {strides = array<i32>} : memref<65536xf32, #tpu.memory_space<vmem>>, vector<16xf32>,
      tpu.vector_store %arg5[%swap3A_89], %broadcast_in_dim3A_3 {strides = array<i32>} : memref<65536xf32, #tpu.memory_space<vmem>>, vector<16xf32>,
      %mul3A_91 = arith.constant 16 : i32
      %mul3A_92 = arith.muli %scan3A_19, %mul3A_91 : i32
      %add3A_93 = arith.constant 9 : i32
      %add3A_94 = arith.addi %mul3A_92, %add3A_93 : i32
      %mul3A_95 = arith.constant 16 : i32
      %mul3A_96 = arith.muli %add3A_94, %mul3A_95 : i32
      %swap3A_97 = arith.index_cast %mul3A_96 : i32 to index
      %swap3A_98 = tpu.vector_load %arg5[%swap3A_97] {strides = array<i32>} : memref<65536xf32, #tpu.memory_space<vmem>>, vector<16xf32>,
      tpu.vector_store %arg5[%swap3A_97], %broadcast_in_dim3A_3 {strides = array<i32>} : memref<65536xf32, #tpu.memory_space<vmem>>, vector<16xf32>,
      %mul3A_99 = arith.constant 16 : i32
      %mul3A_100 = arith.muli %scan3A_19, %mul3A_99 : i32
      %add3A_101 = arith.constant 10 : i32
      %add3A_102 = arith.addi %mul3A_100, %add3A_101 : i32
      %mul3A_103 = arith.constant 16 : i32
      %mul3A_104 = arith.muli %add3A_102, %mul3A_103 : i32
      %swap3A_105 = arith.index_cast %mul3A_104 : i32 to index
      %swap3A_106 = tpu.vector_load %arg5[%swap3A_105] {strides = array<i32>} : memref<65536xf32, #tpu.memory_space<vmem>>, vector<16xf32>,
      tpu.vector_store %arg5[%swap3A_105], %broadcast_in_dim3A_3 {strides = array<i32>} : memref<65536xf32, #tpu.memory_space<vmem>>, vector<16xf32>,
      %mul3A_107 = arith.constant 16 : i32
      %mul3A_108 = arith.muli %scan3A_19, %mul3A_107 : i32
      %add3A_109 = arith.constant 11 : i32
      %add3A_110 = arith.addi %mul3A_108, %add3A_109 : i32
      %mul3A_111 = arith.constant 16 : i32
      %mul3A_112 = arith.muli %add3A_110, %mul3A_111 : i32
      %swap3A_113 = arith.index_cast %mul3A_112 : i32 to index
      %swap3A_114 = tpu.vector_load %arg5[%swap3A_113] {strides = array<i32>} : memref<65536xf32, #tpu.memory_space<vmem>>, vector<16xf32>,
      tpu.vector_store %arg5[%swap3A_113], %broadcast_in_dim3A_3 {strides = array<i32>} : memref<65536xf32, #tpu.memory_space<vmem>>, vector<16xf32>,
      %mul3A_115 = arith.constant 16 : i32
      %mul3A_116 = arith.muli %scan3A_19, %mul3A_115 : i32
      %add3A_117 = arith.constant 12 : i32
      %add3A_118 = arith.addi %mul3A_116, %add3A_117 : i32
      %mul3A_119 = arith.constant 16 : i32
      %mul3A_120 = arith.muli %add3A_118, %mul3A_119 : i32
      %swap3A_121 = arith.index_cast %mul3A_120 : i32 to index
      %swap3A_122 = tpu.vector_load %arg5[%swap3A_121] {strides = array<i32>} : memref<65536xf32, #tpu.memory_space<vmem>>, vector<16xf32>,
      tpu.vector_store %arg5[%swap3A_121], %broadcast_in_dim3A_3 {strides = array<i32>} : memref<65536xf32, #tpu.memory_space<vmem>>, vector<16xf32>,
      %mul3A_123 = arith.constant 16 : i32
      %mul3A_124 = arith.muli %scan3A_19, %mul3A_123 : i32
      %add3A_125 = arith.constant 13 : i32
      %add3A_126 = arith.addi %mul3A_124, %add3A_125 : i32
      %mul3A_127 = arith.constant 16 : i32
      %mul3A_128 = arith.muli %add3A_126, %mul3A_127 : i32
      %swap3A_129 = arith.index_cast %mul3A_128 : i32 to index
      %swap3A_130 = tpu.vector_load %arg5[%swap3A_129] {strides = array<i32>} : memref<65536xf32, #tpu.memory_space<vmem>>, vector<16xf32>,
      tpu.vector_store %arg5[%swap3A_129], %broadcast_in_dim3A_3 {strides = array<i32>} : memref<65536xf32, #tpu.memory_space<vmem>>, vector<16xf32>,
      %mul3A_131 = arith.constant 16 : i32
      %mul3A_132 = arith.muli %scan3A_19, %mul3A_131 : i32
      %add3A_133 = arith.constant 14 : i32
      %add3A_134 = arith.addi %mul3A_132, %add3A_133 : i32
      %mul3A_135 = arith.constant 16 : i32
      %mul3A_136 = arith.muli %add3A_134, %mul3A_135 : i32
      %swap3A_137 = arith.index_cast %mul3A_136 : i32 to index
      %swap3A_138 = tpu.vector_load %arg5[%swap3A_137] {strides = array<i32>} : memref<65536xf32, #tpu.memory_space<vmem>>, vector<16xf32>,
      tpu.vector_store %arg5[%swap3A_137], %broadcast_in_dim3A_3 {strides = array<i32>} : memref<65536xf32, #tpu.memory_space<vmem>>, vector<16xf32>,
      %mul3A_139 = arith.constant 16 : i32
      %mul3A_140 = arith.muli %scan3A_19, %mul3A_139 : i32
      %add3A_141 = arith.constant 15 : i32
      %add3A_142 = arith.addi %mul3A_140, %add3A_141 : i32
      %mul3A_143 = arith.constant 16 : i32
      %mul3A_144 = arith.muli %add3A_142, %mul3A_143 : i32
      %swap3A_145 = arith.index_cast %mul3A_144 : i32 to index
      %swap3A_146 = tpu.vector_load %arg5[%swap3A_145] {strides = array<i32>} : memref<65536xf32, #tpu.memory_space<vmem>>, vector<16xf32>,
      tpu.vector_store %arg5[%swap3A_145], %broadcast_in_dim3A_3 {strides = array<i32>} : memref<65536xf32, #tpu.memory_space<vmem>>, vector<16xf32>,
    }
    %scan3A_8 = arith.constant 256 : i32
    %broadcast_in_dim3A_9 = arith.constant 1.000000e+00 : f32
    %broadcast_in_dim3A_10 = vector.broadcast %broadcast_in_dim3A_9 : f32 to vector<16xf32>
    %iota3A = tpu.iota {dimensions = array<i32: 0>} : vector<16xi32>
    %scan3A_11 = arith.constant 0 : i32
    %scan3A_12 = arith.constant 0 : i32
    %scan3A_13 = arith.constant 64 : i32
    %scan3A_14 = arith.addi %scan3A_12, %scan3A_13 : i32
    %scan3A_15 = arith.constant 1 : i32
    scf.for %scan3A_19 = %scan3A_12 to %scan3A_14 step %scan3A_15  : i32 {
      %mul3A_20 = arith.constant 16 : i32
      %mul3A_21 = arith.muli %scan3A_19, %mul3A_20 : i32
      %add3A_22 = vector.broadcast %mul3A_21 : i32 to vector<16xi32>
      %add3A_23 = arith.addi %add3A_22, %iota3A : vector<16xi32>
      %mul3A_24 = arith.constant 64 : i32
      %mul3A_25 = vector.broadcast %mul3A_24 : i32 to vector<16xi32>
      %mul3A_26 = arith.muli %add3A_23, %mul3A_25 : vector<16xi32>
      %mul3A_27 = arith.constant 16 : i32
      %mul3A_28 = arith.muli %scan3A_19, %mul3A_27 : i32
      %get3A = arith.index_cast %mul3A_28 : i32 to index
      %get3A_29 = tpu.vector_load %arg4[%get3A] {strides = array<i32>} : memref<1024xi32, #tpu.memory_space<vmem>>, vector<16xi32>,
      %add3A_30 = arith.addi %mul3A_26, %get3A_29 : vector<16xi32>
      tpu.vector_store_idx %arg5[%add3A_30], %broadcast_in_dim3A_10 : memref<65536xf32, #tpu.memory_space<vmem>>[vector<16xi32>], vector<16xf32>,
    }
    %scan3A_16 = arith.constant 64 : i32
    %mul3A_17 = arith.constant 64 : i32
    %mul3A_18 = arith.muli %mul3A_2, %mul3A_17 : i32
    "tpu.region"() ({
      %run_scoped3A = tpu.sem_alloc : memref<!tpu.dma_semaphore, #tpu.memory_space<semaphore_mem>>
      %dma_start3A = tpu.memref_slice %arg3[%mul3A_18] : memref<2097152xf32, #tpu.memory_space<hbm>> -> memref<65536xf32, #tpu.memory_space<hbm>>
      %dma_start3A_19 = tpu.memref_slice %arg3[%mul3A_18] : memref<2097152xf32, #tpu.memory_space<hbm>> -> memref<65536xf32, #tpu.memory_space<hbm>>
      tpu.enqueue_dma source(%arg5 : memref<65536xf32, #tpu.memory_space<vmem>>) target(%dma_start3A_19 : memref<65536xf32, #tpu.memory_space<hbm>>) target_semaphore(%run_scoped3A : memref<!tpu.dma_semaphore, #tpu.memory_space<semaphore_mem>>)
      %dma_wait3A = tpu.memref_slice %arg3[%mul3A_18] : memref<2097152xf32, #tpu.memory_space<hbm>> -> memref<65536xf32, #tpu.memory_space<hbm>>
      %dma_wait3A_20 = tpu.memref_slice %arg3[%mul3A_18] : memref<2097152xf32, #tpu.memory_space<hbm>> -> memref<65536xf32, #tpu.memory_space<hbm>>
      tpu.wait_dma2 semaphore(%run_scoped3A : memref<!tpu.dma_semaphore, #tpu.memory_space<semaphore_mem>>) src(%arg5 : memref<65536xf32, #tpu.memory_space<vmem>>) dst(%dma_wait3A_20 : memref<65536xf32, #tpu.memory_space<hbm>>)
      tpu.yield
    }) : () -> ()
    return
  }
}

module attributes {stable_mosaic.version = 14 : i64} {
  func.func @_tc_body(%arg0: i32, %arg1: memref<2048x768xf32, #tpu.memory_space<vmem>>, %arg2: memref<768x64xf32, #tpu.memory_space<vmem>>, %arg3: memref<768x64xf32, #tpu.memory_space<vmem>>, %arg4: memref<2x64xf32, #tpu.memory_space<vmem>>, %arg5: memref<1x64xf32, #tpu.memory_space<vmem>>, %arg6: memref<2048x64xf32, #tpu.memory_space<vmem>>, %arg7: memref<2048x1xi32, #tpu.memory_space<vmem>>, %arg8: memref<2048xi32, #tpu.memory_space<vmem>>) attributes {dimension_semantics = [#tpu.dimension_semantics<arbitrary>], iteration_bounds = array<i64: 16>, scalar_prefetch = 0 : i64, scratch_operands = 0 : i64, tpu.core_type = #tpu.core_type<tc>, window_params = [{transform_indices = @transform_0, window_bounds = array<i64: 2048, 768>}, {pipeline_mode = #tpu.pipeline_mode<synchronous>, transform_indices = @transform_1, window_bounds = array<i64: 768, 64>}, {pipeline_mode = #tpu.pipeline_mode<synchronous>, transform_indices = @transform_2, window_bounds = array<i64: 768, 64>}, {pipeline_mode = #tpu.pipeline_mode<synchronous>, transform_indices = @transform_3, window_bounds = array<i64: 2, 64>}, {pipeline_mode = #tpu.pipeline_mode<synchronous>, transform_indices = @transform_4, window_bounds = array<i64: 1, 64>}, {transform_indices = @transform_5, window_bounds = array<i64: 2048, 64>}, {transform_indices = @transform_6, window_bounds = array<i64: 2048, 1>}, {transform_indices = @transform_7, window_bounds = array<i64: 2048>}]} {
    %get3A = arith.constant 0 : index
    %get3A_0 = arith.constant 0 : index
    %get3A_1 = vector.load %arg1[%get3A, %get3A_0] : memref<2048x768xf32, #tpu.memory_space<vmem>>, vector<2048x768xf32>
    %get3A_2 = arith.constant 0 : index
    %get3A_3 = arith.constant 0 : index
    %get3A_4 = vector.load %arg2[%get3A_2, %get3A_3] : memref<768x64xf32, #tpu.memory_space<vmem>>, vector<768x64xf32>
    %dot_general3A = arith.constant dense<0.000000e+00> : vector<2048x64xf32>
    %dot_general3A_5 = tpu.matmul %get3A_1, %get3A_4, %dot_general3A {dimension_numbers = #tpu.dot_dimension_numbers<[1], [0], [0], [1], [0, 0, 1, 1], [], []>, transpose_lhs_hint = false} : vector<2048x768xf32>, vector<768x64xf32>, vector<2048x64xf32> -> vector<2048x64xf32>
    %get3A_6 = arith.constant 0 : index
    %get3A_7 = arith.constant 0 : index
    %get3A_8 = vector.load %arg3[%get3A_6, %get3A_7] : memref<768x64xf32, #tpu.memory_space<vmem>>, vector<768x64xf32>
    %dot_general3A_9 = arith.constant dense<0.000000e+00> : vector<2048x64xf32>
    %dot_general3A_10 = tpu.matmul %get3A_1, %get3A_8, %dot_general3A_9 {dimension_numbers = #tpu.dot_dimension_numbers<[1], [0], [0], [1], [0, 0, 1, 1], [], []>, transpose_lhs_hint = false} : vector<2048x768xf32>, vector<768x64xf32>, vector<2048x64xf32> -> vector<2048x64xf32>
    %get3A_11 = arith.constant 0 : index
    %get3A_12 = arith.constant 0 : index
    %get3A_13 = vector.load %arg4[%get3A_11, %get3A_12] : memref<2x64xf32, #tpu.memory_space<vmem>>, vector<1x64xf32>
    %add3A = vector.broadcast %get3A_13 : vector<1x64xf32> to vector<2048x64xf32>
    %add3A_14 = arith.addf %dot_general3A_5, %add3A : vector<2048x64xf32>
    %get3A_15 = arith.constant 1 : index
    %get3A_16 = arith.constant 0 : index
    %get3A_17 = vector.load %arg4[%get3A_15, %get3A_16] : memref<2x64xf32, #tpu.memory_space<vmem>>, vector<1x64xf32>
    %add3A_18 = vector.broadcast %get3A_17 : vector<1x64xf32> to vector<2048x64xf32>
    %add3A_19 = arith.addf %dot_general3A_10, %add3A_18 : vector<2048x64xf32>
    %custom_jvp_call3A = arith.constant 0.000000e+00 : f32
    %max3A = vector.broadcast %custom_jvp_call3A : f32 to vector<2048x64xf32>
    %max3A_20 = arith.maximumf %add3A_19, %max3A : vector<2048x64xf32>
    %sub3A = vector.broadcast %custom_jvp_call3A : f32 to vector<2048x64xf32>
    %sub3A_21 = arith.subf %add3A_19, %sub3A : vector<2048x64xf32>
    %ne3A = arith.cmpf one, %sub3A_21, %sub3A_21 : vector<2048x64xf32>
    %add3A_22 = vector.broadcast %custom_jvp_call3A : f32 to vector<2048x64xf32>
    %add3A_23 = arith.addf %add3A_19, %add3A_22 : vector<2048x64xf32>
    %abs3A = math.absf %sub3A_21 : vector<2048x64xf32>
    %neg3A = arith.constant 0.000000e+00 : f32
    %neg3A_24 = vector.broadcast %neg3A : f32 to vector<2048x64xf32>
    %neg3A_25 = arith.subf %neg3A_24, %abs3A : vector<2048x64xf32>
    %exp3A = math.exp %neg3A_25 : vector<2048x64xf32>
    %log1p3A = math.log1p %exp3A : vector<2048x64xf32>
    %add3A_26 = arith.addf %max3A_20, %log1p3A : vector<2048x64xf32>
    %select_n3A = arith.select %ne3A, %add3A_23, %add3A_26 : vector<2048x64xi1>, vector<2048x64xf32>
    %get3A_27 = arith.constant 0 : index
    %get3A_28 = arith.constant 0 : index
    %get3A_29 = vector.load %arg6[%get3A_27, %get3A_28] : memref<2048x64xf32, #tpu.memory_space<vmem>>, vector<2048x64xf32>
    %mul3A = arith.mulf %get3A_29, %select_n3A : vector<2048x64xf32>
    %add3A_30 = arith.addf %add3A_14, %mul3A : vector<2048x64xf32>
    %reduce_max3A = arith.constant dense<0xFF800000> : vector<2048xf32>
    %reduce_max3A_31 = vector.multi_reduction <maximumf>, %add3A_30, %reduce_max3A [1] : vector<2048x64xf32> to vector<2048xf32>
    %broadcast_in_dim3A = vector.shape_cast %reduce_max3A_31 : vector<2048xf32> to vector<2048x1xf32>
    %get3A_32 = arith.constant 0 : index
    %get3A_33 = arith.constant 0 : index
    %get3A_34 = vector.load %arg5[%get3A_32, %get3A_33] : memref<1x64xf32, #tpu.memory_space<vmem>>, vector<1x64xf32>
    %eq3A = vector.broadcast %broadcast_in_dim3A : vector<2048x1xf32> to vector<2048x64xf32>
    %eq3A_35 = arith.cmpf oeq, %add3A_30, %eq3A : vector<2048x64xf32>
    %jit3A = arith.constant 6.400000e+01 : f32
    %broadcast_in_dim3A_36 = vector.shape_cast %get3A_34 : vector<1x64xf32> to vector<1x64xf32>
    %broadcast_in_dim3A_37 = vector.broadcast %broadcast_in_dim3A_36 : vector<1x64xf32> to vector<2048x64xf32>
    %broadcast_in_dim3A_38 = vector.broadcast %jit3A : f32 to vector<2048x64xf32>
    %select_n3A_39 = arith.select %eq3A_35, %broadcast_in_dim3A_37, %broadcast_in_dim3A_38 : vector<2048x64xi1>, vector<2048x64xf32>
    %reduce_min3A = arith.constant dense<0x7F800000> : vector<2048xf32>
    %reduce_min3A_40 = vector.multi_reduction <minimumf>, %select_n3A_39, %reduce_min3A [1] : vector<2048x64xf32> to vector<2048xf32>
    %broadcast_in_dim3A_41 = vector.shape_cast %reduce_min3A_40 : vector<2048xf32> to vector<2048x1xf32>
    %convert_element_type3A = arith.fptosi %broadcast_in_dim3A_41 : vector<2048x1xf32> to vector<2048x1xi32>
    %swap3A = arith.constant 0 : index
    %swap3A_42 = arith.constant 0 : index
    %swap3A_43 = vector.load %arg7[%swap3A, %swap3A_42] : memref<2048x1xi32, #tpu.memory_space<vmem>>, vector<2048x1xi32>
    tpu.vector_store %arg7[%swap3A, %swap3A_42], %convert_element_type3A {strides = array<i32>} : memref<2048x1xi32, #tpu.memory_space<vmem>>, vector<2048x1xi32>,
    %reshape3A = vector.shape_cast %convert_element_type3A : vector<2048x1xi32> to vector<2048xi32>
    %swap3A_44 = arith.constant 0 : index
    %swap3A_45 = vector.load %arg8[%swap3A_44] : memref<2048xi32, #tpu.memory_space<vmem>>, vector<2048xi32>
    tpu.vector_store %arg8[%swap3A_44], %reshape3A {strides = array<i32>} : memref<2048xi32, #tpu.memory_space<vmem>>, vector<2048xi32>,
    return
  }
  func.func @transform_0(%arg0: i32) -> (i32, i32) {
    %c0_i32 = arith.constant 0 : i32
    %c0_i32_0 = arith.constant 0 : i32
    return %arg0, %c0_i32 : i32, i32
  }
  func.func @transform_1(%arg0: i32) -> (i32, i32) {
    %c0_i32 = arith.constant 0 : i32
    %c0_i32_0 = arith.constant 0 : i32
    %c0_i32_1 = arith.constant 0 : i32
    return %c0_i32, %c0_i32_0 : i32, i32
  }
  func.func @transform_2(%arg0: i32) -> (i32, i32) {
    %c0_i32 = arith.constant 0 : i32
    %c0_i32_0 = arith.constant 0 : i32
    %c0_i32_1 = arith.constant 0 : i32
    return %c0_i32, %c0_i32_0 : i32, i32
  }
  func.func @transform_3(%arg0: i32) -> (i32, i32) {
    %c0_i32 = arith.constant 0 : i32
    %c0_i32_0 = arith.constant 0 : i32
    %c0_i32_1 = arith.constant 0 : i32
    return %c0_i32, %c0_i32_0 : i32, i32
  }
  func.func @transform_4(%arg0: i32) -> (i32, i32) {
    %c0_i32 = arith.constant 0 : i32
    %c0_i32_0 = arith.constant 0 : i32
    %c0_i32_1 = arith.constant 0 : i32
    return %c0_i32, %c0_i32_0 : i32, i32
  }
  func.func @transform_5(%arg0: i32) -> (i32, i32) {
    %c0_i32 = arith.constant 0 : i32
    %c0_i32_0 = arith.constant 0 : i32
    return %arg0, %c0_i32 : i32, i32
  }
  func.func @transform_6(%arg0: i32) -> (i32, i32) {
    %c0_i32 = arith.constant 0 : i32
    %c0_i32_0 = arith.constant 0 : i32
    return %arg0, %c0_i32 : i32, i32
  }
  func.func @transform_7(%arg0: i32) -> i32 {
    %c0_i32 = arith.constant 0 : i32
    return %arg0 : i32
  }
}

</mosaic_0001>

<sc_bundles>
// kernel: kernel.4.cloned.1.call-start
scs
__scs_entry_jumppad:
0x0: {  	(pc) =	sbr.rel $0x88, $3  }
0x1: {  	(tag) =	ssettag $0x0;
	lr =	simm.s32 $0x1  }
0x2: {  	[smem:$0x3F9C] =	sst lr;
	_ =	strace $0xD0000000  }
0x3: {  	_ = 	snop  }
0x4: {  	_ = 	snop  }
0x5: {  	_ = 	snop  }
0x6: {  	_ = 	snop  }
0x7: {  	_ = 	snop  }
__scs_overlays_trampoline_lowered:
0x8: {  	[smem:$0x3FAB] =	sst s0  }
0x9: {  	[smem:$0x3FAC] =	sst s1  }
0xa: {  	[smem:$0x3FAD] =	sst s2  }
0xb: {  	[smem:$0x3FAE] =	sst s3  }
0xc: {  	[smem:$0x3FAF] =	sst s4  }
0xd: {  	[smem:$0x3FB0] =	sst s5  }
0xe: {  	[smem:$0x3FB1] =	sst s6  }
0xf: {  	[smem:$0x3FB2] =	sst s7  }
0x10: {  	[smem:$0x3FB3] =	sst s8  }
0x11: {  	[smem:$0x3FB4] =	sst s9;
	s0 =	simm.s32 @!p0 $0x0  }
0x12: {  	s1 =	sld [smem:$0x3F9A];
	s0 =	simm.s32 @p0 $0x1  }
0x13: {  	[smem:$0x3FB5] =	sst s0;
	s0 =	simm.s32 @!p1 $0x0  }
0x14: {  	s2 =	sld [smem:$0x3F99];
	s0 =	simm.s32 @p1 $0x1  }
0x15: {  	[smem:$0x3FB6] =	sst s0;
	s0 =	simm.s32 @!p2 $0x0  }
0x16: {  	s3 =	sld [smem:$0x3FDB];
	s0 =	simm.s32 @p2 $0x1  }
0x17: {  	s4 =	simm.s32 $0x1BF5;
	[smem:$0x3FB8] =	sst s0  }
0x18: {  	s0 =	sld [smem:$0x3F9B];
	_ =	swait.ge [sflag:s4], $0x0  }
0x19: {  	s7 =	sld [smem:$0x3F9C]  }
0x1a: {  	s8 =	sadd.s32 $0xFFFFE003, lr  }
0x1b: {  	s9 =	sadd.s32 $0xFFFFFEF7, lr;
	s5 =	simm.s32 $0xFFFFFFFF;
	p2 =	slt.u32 s8, $0xFFFFF086  }
0x1c: {  	p1 =	slt.u32 s9, $0xF7A;
	s5 =	simm.s32 @!p2 $0x0  }
0x1d: {  	s5 =	simm.s32 @p1 $0x1;
	p0 =	seq.s32 s7, s2  }
0x1e: {  	s7 =	smul.u32 @!p0 $0xF7A, s2;
	p2 =	seq.s32 @!p0 s5, $0x0  }
0x1f: {  	s9 =	smul.u32 $0xF7A, s1;
	s8 =	simm.s32 @!p0 $0x1BF5;
	p2 =	por !p2, p0  }
0x20: {  	[sflag:s8] =	ssyncset.s32 @!p0 $0xFFFFF086;
	s6 =	sadd.s32 @!p0 s3, s7;
	s7 =	simm.s32 @!p0 $0x108  }
0x21: {  	s3 =	sadd.s32 s3, s9;
	s6 =	sadd.s32 @!p0 $0x88, s6;
	s7 =	simm.s32 @p2 $0x1082  }
0x22: {  	[simem:s7], [sflag:s8] =	dma.local @!p0 [hbm:s6], $0xF7A  }
0x23: {  	s9 =	sor.u32 $0xD0000000, s2;
	s6 =	simm.s32 $0x108;
	_ =	swait.ge @!p0 [sflag:s8], $0x0  }
0x24: {  	s3 =	sadd.s32 $0x88, s3;
	s6 =	simm.s32 @!p1 $0x1082;
	[sflag:s4] =	ssyncset.s32 $0xFFFFF086  }
0x25: {  	[simem:s6], [sflag:s4] =	dma.local [hbm:s3], $0xF7A  }
0x26: {  	[smem:$0x3F9C] =	sst s1;
	(tag) =	ssettag s2;
	_ =	strace s9  }
0x27: {  	s1 =	sld [smem:$0x3FAC]  }
0x28: {  	s2 =	sld [smem:$0x3FAD]  }
0x29: {  	s4 =	sld [smem:$0x3FAF]  }
0x2a: {  	p0 =	seq.s32 s5, $0x0;
	s5 =	sld [smem:$0x3FB0]  }
0x2b: {  	s6 =	sld [smem:$0x3FB1]  }
0x2c: {  	s7 =	sld [smem:$0x3FB2]  }
0x2d: {  	s3 =	simm.s32 $0x108;
	s8 =	sld [smem:$0x3FB3]  }
0x2e: {  	s3 =	simm.s32 @!p0 $0x1082;
	s9 =	sld [smem:$0x3FB4]  }
0x2f: {  	lr =	sadd.s32 s0, s3;
	s0 =	sld [smem:$0x3FAB]  }
0x30: {  	s3 =	sld [smem:$0x3FAE]  }
0x31: {  	[smem:$0x3FB7] =	sst s10  }
0x32: {  	s10 =	sld [smem:$0x3FB5];
	_ =	sdelay $0x3  }
0x33: {  	p0 =	seq.s32 s10, $0x1;
	s10 =	sld [smem:$0x3FB7];
	_ =	sdelay $0x3  }
0x34: {  	[smem:$0x3FB7] =	sst s10  }
0x35: {  	s10 =	sld [smem:$0x3FB6];
	_ =	sdelay $0x3  }
0x36: {  	p1 =	seq.s32 s10, $0x1;
	s10 =	sld [smem:$0x3FB7];
	_ =	sdelay $0x3  }
0x37: {  	[smem:$0x3FB7] =	sst s10  }
0x38: {  	s10 =	sld [smem:$0x3FB8]  }
0x39: {  	_ = 	snop;
	(pc) =	sbr.ind lr, $3  }
0x3a: {  	_ = 	snop  }
0x3b: {  	_ = 	snop  }
0x3c: {  	p2 =	seq.s32 s10, $0x1;
	s10 =	sld [smem:$0x3FB7]  }
0x3d: {  	_ =	shalt  }
0x3e: {  	_ =	shalt  }
0x3f: {  	_ =	shalt  }
0x40: {  	_ =	shalt  }
0x41: {  	_ =	shalt  }
0x42: {  	_ =	shalt  }
0x43: {  	_ =	shalt  }
0x44: {  	_ =	shalt  }
0x45: {  	_ =	shalt  }
0x46: {  	_ =	shalt  }
0x47: {  	_ =	shalt  }
0x48: {  	_ =	shalt  }
0x49: {  	_ =	shalt  }
0x4a: {  	_ =	shalt  }
0x4b: {  	_ =	shalt  }
0x4c: {  	_ =	shalt  }
0x4d: {  	_ =	shalt  }
0x4e: {  	_ =	shalt  }
0x4f: {  	_ =	shalt  }
0x50: {  	_ =	shalt  }
0x51: {  	_ =	shalt  }
0x52: {  	_ =	shalt  }
0x53: {  	_ =	shalt  }
0x54: {  	_ =	shalt  }
0x55: {  	_ =	shalt  }
0x56: {  	_ =	shalt  }
0x57: {  	_ =	shalt  }
0x58: {  	_ =	shalt  }
0x59: {  	_ =	shalt  }
0x5a: {  	_ =	shalt  }
0x5b: {  	_ =	shalt  }
0x5c: {  	_ =	shalt  }
0x5d: {  	_ =	shalt  }
0x5e: {  	_ =	shalt  }
0x5f: {  	_ =	shalt  }
0x60: {  	_ =	shalt  }
0x61: {  	_ =	shalt  }
0x62: {  	_ =	shalt  }
0x63: {  	_ =	shalt  }
0x64: {  	_ =	shalt  }
0x65: {  	_ =	shalt  }
0x66: {  	_ =	shalt  }
0x67: {  	_ =	shalt  }
0x68: {  	_ =	shalt  }
0x69: {  	_ =	shalt  }
0x6a: {  	_ =	shalt  }
0x6b: {  	_ =	shalt  }
0x6c: {  	_ =	shalt  }
0x6d: {  	_ =	shalt  }
0x6e: {  	_ =	shalt  }
0x6f: {  	_ =	shalt  }
0x70: {  	_ =	shalt  }
0x71: {  	_ =	shalt  }
0x72: {  	_ =	shalt  }
0x73: {  	_ =	shalt  }
0x74: {  	_ =	shalt  }
0x75: {  	_ =	shalt  }
0x76: {  	_ =	shalt  }
0x77: {  	_ =	shalt  }
0x78: {  	_ =	shalt  }
0x79: {  	_ =	shalt  }
0x7a: {  	_ =	shalt  }
0x7b: {  	_ =	shalt  }
0x7c: {  	_ =	shalt  }
0x7d: {  	_ =	shalt  }
0x7e: {  	_ =	shalt  }
0x7f: {  	_ =	shalt  }
0x80: {  	_ =	shalt  }
0x81: {  	_ =	shalt  }
0x82: {  	_ =	shalt  }
0x83: {  	_ =	shalt  }
0x84: {  	_ =	shalt  }
0x85: {  	_ =	shalt  }
0x86: {  	_ =	shalt  }
0x87: {  	_ =	shalt  }
.Lfunc_end0:
.L_simem_size_0:
called_computation_lowered:
.L_overlay_start_0:
0x88: {  	s2 =	sld [smem:$0x3FD9]  }
0x89: {  	s3 =	sld [smem:$0x3FFE];
	_ =	sdelay $0x1  }
0x8a: {  	s1 =	srdreg.scid  }
0x8b: {  	s0 =	sand.u32 $0x1, s1  }
0x8c: {  	s14 =	sshll.u32 s0, $0xA;
	s2 =	sadd.s32 s3, s2  }
0x8d: {  	s2 =	sadd.s32 s2, s14  }
0x8e: {  	[smem:$0x3FC3] =	sst s2  }
0x8f: {  	_ = 	snop  }
0x90: {  	s2 =	sld [smem:$0x3FD0];
	_ =	sdelay $0x2  }
0x91: {  	s15 =	simm.s32 $0xA;
	s4 =	simm.s32 $0x10  }
0x92: {  	[smem:s4], [sflag:s15] =	dma.local [hbm:s2], $0x1  }
0x93: {  	_ =	swait.eq [sflag:s15], $0x1  }
0x94: {  	[sflag:s15] =	ssyncset.done $0x0  }
0x95: {  	[sflag:s15] =	ssyncadd.s32 $0xFFFFFFFF  }
0x96: {  	s16 =	sld [smem:$0x10];
	(tm) =	ssettm $0x1  }
0x97: {  	s17 =	sld [smem:$0x3FFB];
	_ =	sdelay $0x3  }
0x98: {  	_ =	strace s17  }
0x99: {  	s3 =	sld [smem:$0x3FFC];
	_ =	sdelay $0x3  }
0x9a: {  	_ =	strace s3  }
0x9b: {  	s3 =	sld [smem:$0x3FFD];
	_ =	sdelay $0x3  }
0x9c: {  	_ =	strace s3  }
0x9d: {  	_ =	strace $0x8FFFFFFF  }
0x9e: {  	s18 =	sld [smem:$0x3FDB];
	_ =	sdelay $0x1  }
0x9f: {  	s19 =	simm.s32 $_scs_section_size  }
0xa0: {  	s5 =	simm.s32 $_size__tile_overlayer_lowered;
	s6 =	simm.s32 $_tile_overlayer_lowered  }
0xa1: {  	s22 =	simm.s32 $0x1BFF;
	s21 =	sshll.u32 s6, $0x1;
	s3 =	sadd.s32 s19, s18  }
0xa2: {  	s7 =	simm.s32 $0x0;
	s20 =	sshll.u32 s5, $0x1;
	s5 =	sadd.s32 s21, s3  }
0xa3: {  	[timem:s7], [sflag:s22] =	dma.local [hbm:s5], s20  }
0xa4: {  	_ =	swait.ge [sflag:s22], s20  }
0xa5: {  	s4 =	ssub.s32 $0x0, s20;
	[sflag:s22] =	ssyncset.done $0x0  }
0xa6: {  	[sflag:s22] =	ssyncadd.s32 s4;
	_ =	sdelay $0x1  }
0xa7: {  	s23 =	simm.s32 $0x1B8B  }
0xa8: {  	_ =	swait.ge [sflag:s23], $0x1  }
0xa9: {  	[sflag:s23] =	ssyncset.done $0x0  }
0xaa: {  	s25 =	simm.s32 $0x1B8E;
	s24 =	sld [smem:$0x3FFE];
	[sflag:s23] =	ssyncadd.s32 $0xFFFFFFFF  }
0xab: {  	s26 =	simm.s32 $execute0_lowered;
	[smem:$0x3FD2] =	sst s25  }
0xac: {  	s5 =	sshll.u32 s26, $0x1;
	_ =	strace $0x80000046;
	[dreg:$0x1] =	wrdreg $0xFFFFFFFF  }
0xad: {  	s28 =	simm.s32 $_size_execute0_lowered;
	s3 =	sadd.s32 s3, s5;
	[dreg:$0x0] =	wrdreg $0x0  }
0xae: {  	s5 =	sshll.u32 s28, $0x1;
	[dreg:$0x2] =	wrdreg s3  }
0xaf: {  	[dreg:$0x3] =	wrdreg s5  }
0xb0: {  	[dreg:$0x4] =	wrdreg $0xC0  }
0xb1: {  	_ =	task [dreg:s7], $0x5FFFF  }
0xb2: {  	[dreg:$0x1] =	wrdreg $0xFFFFFFFF  }
0xb3: {  	[dreg:$0x0] =	wrdreg $0x60  }
0xb4: {  	[dreg:$0x2] =	wrdreg s24  }
0xb5: {  	[dreg:$0x3] =	wrdreg s16  }
0xb6: {  	[dreg:$0x4] =	wrdreg $0x9  }
0xb7: {  	_ =	task.clear_ibuf [dreg:s7], $0x5FFFF;
	_ =	strace $0x90000046  }
0xb8: {  	s29 =	simm.s32 $0x9;
	_ =	strace $0x80000048  }
0xb9: {  	_ =	swait.ge [sflag:s29], $0x1  }
0xba: {  	[sflag:s29] =	ssyncadd.s32 $0xFFFFFFFF  }
0xbb: {  	_ =	strace $0x90000048  }
0xbc: {  	_ =	sfence  }
0xbd: {  	s30 =	sld [smem:$0x0];
	_ =	sdelay $0x2  }
0xbe: {  	s31 =	sshll.u32 s1, $0xD;
	s1 =	sshrl.u32 s1, $0x2  }
0xbf: {  	s3 =	sand.u32 $0x4000, s31;
	s1 =	sadd.s32 s1, s30  }
0xc0: {  	s0 =	sor.u32 s3, s0;
	s1 =	sshll.u32 s1, $0x11  }
0xc1: {  	s0 =	sor.u32 s1, s0  }
0xc2: {  	s0 =	sadd.s32 $0x8F2B, s0  }
0xc3: {  	[sflag:s0] =	ssyncadd.remote.s32 $0x1  }
0xc4: {  	_ =	sfence.sel $0xFFFF  }
0xc5: {  	[dreg:$0x0] =	wrdreg $0xFFFFFFFF;
	(pc) =	sbr.abs _section_cstart, $3  }
0xc6: {  	[dreg:$0x1] =	wrdreg $0xFFFFFFFF  }
0xc7: {  	_ =	task.clear_ibuf [dreg:s7], $0x2FFFF;
	_ =	strace $0x9FFFFFFF  }
0xc8: {  	(tm) =	ssettm $0x7FFFFFFF  }
0xc9: {  	_ =	shalt  }
tec
execute0_lowered:
.L_overlay_start_1:
0x0: {  	(tag) =	ssettag $0x1  }
0x1: {  	s3 =	rddreg [dreg:$0x0]  }
0x2: {  	s4 =	rddreg [dreg:$0x1]  }
0x3: {  	s0 =	rddreg [dreg:$0x2]  }
0x4: {  	s5 =	srdreg.scid;
	s1 =	stileid.u32  }
0x5: {  	s2 =	simm.s32 $0x0;
	s5 =	sand.u32 $0x1, s5;
	s6 =	sshll.u32 s1, $0x1  }
0x6: {  	[smem:$0x7FF] =	sst s2;
	s6 =	sor.u32 s5, s6;
	s5 =	ssub.s32 $0x2, s5  }
0x7: {  	_ =	strace $0x80000047;
	s7 =	sshll.u32 s6, $0x7;
	s8 =	sshrl.u32 s5, $0x1  }
0x8: {  	s6 =	sshll.u32 s6, $0xD;
	s3 =	sadd.s32 s7, s3;
	s5 =	ssub.s32 s5, s8  }
0x9: {  	v1 =	vlaneseq.u32;
	s4 =	sadd.s32 s4, s6;
	s6 =	simm.s32 $0x1;
	s7 =	simm.s32 $0x400  }
0xa: {  	v0 =	vimm.f32 $0.0e+00;
	v2 =	vimm.f32 $1.000000000e+00;
	v1 =	vmul.u32 $0x40, v1;
	s8 =	simm.s32 $0x0;
	s3 =	sadd.s32 $0xA00, s3;
	s5 =	smax.u32 s5, $0x1  }
.LBB2_1:
0xb: {  	[tilespmem:s2], [sflag:$0x1] =	stream.linear.gather [hbm4b:s3+s2], $0x400, $0x38;
	[tilespmem:$0x10400] =	vst v63  }
0xc: {  	_ =	swait.ge [sflag:s6], $0x400  }
0xd: {  	[sflag:s6] =	ssyncset.done $0x0  }
0xe: {  	s9 =	simm.s32 $0x0;
	s10 =	simm.s32 $0x400;
	[sflag:s6] =	ssyncadd.s32 $0xFFFFFC00  }
.LBB2_2:
0xf: {  	p0 =	sne.s32 s10, $0x3FC00;
	[tilespmem:s9+$0x4F0] =	vst v0  }
0x10: {  	[tilespmem:s9+$0x400] =	vst v0  }
0x11: {  	[tilespmem:s9+$0x410] =	vst v0  }
0x12: {  	[tilespmem:s9+$0x420] =	vst v0  }
0x13: {  	[tilespmem:s9+$0x430] =	vst v0  }
0x14: {  	[tilespmem:s9+$0x440] =	vst v0  }
0x15: {  	[tilespmem:s9+$0x450] =	vst v0  }
0x16: {  	[tilespmem:s9+$0x460] =	vst v0  }
0x17: {  	[tilespmem:s9+$0x470] =	vst v0  }
0x18: {  	[tilespmem:s9+$0x480] =	vst v0  }
0x19: {  	[tilespmem:s9+$0x490] =	vst v0  }
.Ltmp0:
0x1a: {  	[tilespmem:s9+$0x4A0] =	vst v0;
	(pc) =	sbr.rel @p0 .LBB2_2-.Ltmp0, $4  }
0x1b: {  	[tilespmem:s9+$0x4B0] =	vst v0  }
0x1c: {  	[tilespmem:s9+$0x4C0] =	vst v0  }
0x1d: {  	[tilespmem:s9+$0x4D0] =	vst v0  }
0x1e: {  	[tilespmem:s9+$0x4E0] =	vst v0;
	s9 =	sshra.s32 s10, $0x2;
	s10 =	sadd.s32 $0x400, s10  }
0x1f: {  	[tilespmem:s9+$0x4F0] =	vst v0  }
0x20: {  	[tilespmem:s9+$0x400] =	vst v0  }
0x21: {  	[tilespmem:s9+$0x410] =	vst v0  }
0x22: {  	[tilespmem:s9+$0x420] =	vst v0  }
0x23: {  	[tilespmem:s9+$0x430] =	vst v0  }
0x24: {  	[tilespmem:s9+$0x440] =	vst v0  }
0x25: {  	[tilespmem:s9+$0x450] =	vst v0  }
0x26: {  	[tilespmem:s9+$0x460] =	vst v0  }
0x27: {  	[tilespmem:s9+$0x470] =	vst v0  }
0x28: {  	[tilespmem:s9+$0x480] =	vst v0  }
0x29: {  	[tilespmem:s9+$0x490] =	vst v0  }
0x2a: {  	[tilespmem:s9+$0x4A0] =	vst v0  }
0x2b: {  	[tilespmem:s9+$0x4B0] =	vst v0  }
0x2c: {  	[tilespmem:s9+$0x4C0] =	vst v0  }
0x2d: {  	[tilespmem:s9+$0x4D0] =	vst v0  }
0x2e: {  	[tilespmem:s9+$0x4E0] =	vst v0;
	s9 =	simm.s32 $0x0  }
0x2f: {  	s10 =	simm.s32 $0x10;
	s11 =	simm.s32 $0x0;
	v3 =	vld [tilespmem:s9+$0x0]  }
.LBB2_4:
0x30: {  	p0 =	sne.s32 s10, $0x3F0  }
0x31: {  	v4 =	vmov s9;
	s9 =	smov.u32 s10  }
0x32: {  	v4 =	vshll.u32 v4, $0x6  }
0x33: {  	v4 =	vor.u32 v1, v4  }
0x34: {  	v3 =	vadd.s32 v4, v3;
	_ =	sdelay $0x1  }
.Ltmp1:
0x35: {  	(pc) =	sbr.rel @p0 .LBB2_4-.Ltmp1, $3  }
0x36: {  	_ =	sdelay $0x1  }
0x37: {  	s11 =	sadd.s32 $0x10, s11;
	[tilespmem:v3+s7+$0x0] =	vst.idx.msk $0xffff, v2  }
0x38: {  	s10 =	sadd.s32 $0x10, s10;
	v3 =	vld [tilespmem:s11+$0x0]  }
0x39: {  	_ = 	snop  }
0x3a: {  	v4 =	vmov s9  }
0x3b: {  	v4 =	vshll.u32 v4, $0x6  }
0x3c: {  	v4 =	vor.u32 v1, v4  }
0x3d: {  	v3 =	vadd.s32 v4, v3;
	_ =	sdelay $0x2  }
0x3e: {  	s8 =	sadd.s32 $0x1, s8  }
0x3f: {  	p0 =	sne.s32 s8, s5  }
.Ltmp2:
0x40: {  	[tilespmem:v3+s7+$0x0] =	vst.idx.msk $0xffff, v2;
	(pc) =	sbr.rel @p0 .LBB2_1-.Ltmp2, $4  }
0x41: {  	[hbm4b:s4+s2] =	stream.linear.scatter [tilespmem:s7], [sflag:$0x1], $0x10000, $0x38;
	[tilespmem:$0x10400] =	vst v63  }
0x42: {  	_ =	swait.ge [sflag:s6], $0x10000  }
0x43: {  	[sflag:s6] =	ssyncset.done $0x0  }
0x44: {  	[sflag:s6] =	ssyncadd.s32 $0xFFFF0000  }
0x45: {  	_ =	sfence.sel $0x180000  }
0x46: {  	[bflag:$0x0] =	sbarrier.arrive $0xFFFF  }
0x47: {  	p0 =	sne.s32 s1, $0x0;
	_ =	strace $0x90000047  }
0x48: {  	s0 =	sadd.s32 @!p0 $0x100000, s0;
	[bflag:$0x2] =	sbarrier.arrive $0xFFFF  }
0x49: {  	[sflag:s0] =	ssyncadd.tile.s32 @!p0 $0x1;
	_ =	shalt  }
.Lfunc_end2:
_tile_overlayer_lowered:
.L_overlay_start_2:
0x4a: {  	(tag) =	ssettag $0x2  }
0x4b: {  	s0 =	rddreg [dreg:$0x0];
	s2 =	stileid.u32  }
0x4c: {  	s1 =	rddreg [dreg:$0x1];
	p0 =	sne.s32 s2, $0x0  }
0x4d: {  	s3 =	rddreg [dreg:$0x2];
	[bflag:$0x3] =	sbarrier.arrive $0xFFFF;
	s2 =	simm.s32 @!p0 $0x1C01  }
0x4e: {  	[timem:s3], [sflag:s2] =	dma.local @!p0 [hbm:s0], s1  }
0x4f: {  	s0 =	simm.s32 @!p0 $0x1  }
0x50: {  	_ =	swait.ge @!p0 [sflag:s0], s1  }
0x51: {  	s1 =	ssub.s32 @!p0 $0x0, s1;
	[sflag:s0] =	ssyncset.done @!p0 $0x0  }
0x52: {  	[sflag:s0] =	ssyncadd.s32 @!p0 s1  }
0x53: {  	[bflag:$0x3] =	sbarrier.arrive $0xFFFF  }
0x54: {  	_ =	shalt  }

</sc_bundles>
